<compile_context>
chip_gen: v7x
topology: tpu7x:2x2x1
jax: 0.10.2.dev20260603
libtpu: 0.0.44.dev20260713+nightly
codegen_flags: <defaults>
</compile_context>

<pallas_src>
import functools

import jax
import jax.numpy as jnp
from jax import lax
from jax.experimental import pallas as pl
from jax.experimental.pallas import tpu as pltpu
from jax.experimental.pallas import tpu_sc as plsc

_N_NODES = 10000
_N_EDGES = 320000
_C = 128

_NC = 2
_NS = 16
_NW = _NC * _NS
_EPW = _N_EDGES // _NW
_L = 16
_GROUPS = _EPW // _L
_UNROLL = 5


def _pq_body(a_ref, x_ref, o_ref):
    o_ref[...] = lax.dot_general(
        a_ref[...],
        x_ref[...],
        dimension_numbers=(((1,), (1,)), ((), ())),
        preferred_element_type=jnp.float32,
    )


@functools.partial(
    pl.kernel,
    mesh=plsc.VectorSubcoreMesh(core_axis_name="c", subcore_axis_name="s"),
    out_type=jax.ShapeDtypeStruct((_N_EDGES,), jnp.float32),
    scratch_types=[
        pltpu.VMEM((_N_NODES,), jnp.float32),
        pltpu.VMEM((_N_NODES,), jnp.float32),
        pltpu.VMEM((_EPW,), jnp.int32),
        pltpu.VMEM((_EPW,), jnp.int32),
        pltpu.VMEM((_EPW,), jnp.float32),
    ],
    compiler_params=pltpu.CompilerParams(needs_layout_passes=False),
)
def _edge_kernel(pq_hbm, nbr_hbm, out_hbm, p_v, q_v, s_v, t_v, o_v):
    wid = lax.axis_index("s") * _NC + lax.axis_index("c")
    base = wid * _EPW
    pltpu.sync_copy(pq_hbm.at[pl.ds(0, _N_NODES)], p_v)
    pltpu.sync_copy(pq_hbm.at[pl.ds(_N_NODES, _N_NODES)], q_v)
    pltpu.sync_copy(nbr_hbm.at[pl.ds(base, _EPW)], s_v)
    pltpu.sync_copy(nbr_hbm.at[pl.ds(_N_EDGES + base, _EPW)], t_v)

    def step(g, carry):
        for u in range(_UNROLL):
            off = (g * _UNROLL + u) * _L
            si = s_v[pl.ds(off, _L)]
            ti = t_v[pl.ds(off, _L)]
            pv = plsc.load_gather(p_v, [si])
            qv = plsc.load_gather(q_v, [ti])
            o_v[pl.ds(off, _L)] = jnp.maximum(pv + qv, 0.0)
        return carry

    lax.fori_loop(0, _GROUPS // _UNROLL, step, 0)
    pltpu.sync_copy(o_v, out_hbm.at[pl.ds(base, _EPW)])


def kernel(x_0, neighborhood_0_to_0, att):
    a2 = att.reshape(2, _C)
    pq = pl.pallas_call(
        _pq_body,
        out_shape=jax.ShapeDtypeStruct((2, _N_NODES), jnp.float32),
    )(a2, x_0)
    edge = _edge_kernel(x_0.reshape(-1)[: 2 * _N_NODES], neighborhood_0_to_0.reshape(-1))
    return edge.reshape(_N_EDGES, 1)

# --- scband reference (transcript-rebuilt; emitter-appended) ---
"""Pipeline reference for scband-lift-layer-31009663877640 (READ-ONLY COPY).

The authoritative reference and input builder live on the scoring server;
editing this copy changes nothing except your own understanding.
"""

import jax, jax.numpy as jnp
import numpy as np

N_NODES = 10000
N_EDGES = 320000
C = 128


def _xavier_uniform(key, shape, gain):
    fan_in, fan_out = shape[0], shape[1]
    a = gain * np.sqrt(6.0 / (fan_in + fan_out))
    return jax.random.uniform(key, shape, dtype=jnp.float32, minval=-a, maxval=a)


def setup_inputs(seed: int = 0) -> dict:
    key = jax.random.key(seed)
    k1, k2, k3 = jax.random.split(key, 3)
    x_0 = jax.random.normal(k1, (N_NODES, C), dtype=jnp.float32)
    neighborhood_0_to_0 = jax.random.randint(k2, (2, N_EDGES), 0, N_NODES, dtype=jnp.int32)
    gain = np.sqrt(2.0)  # nn.init.calculate_gain('relu')
    att = _xavier_uniform(k3, (2 * C, 1), gain)
    return {"x_0": x_0, "neighborhood_0_to_0": neighborhood_0_to_0, "att": att}


def reference(x_0, neighborhood_0_to_0, att):
    # source, target = neighborhood_0_to_0.indices()
    source = neighborhood_0_to_0[0]
    target = neighborhood_0_to_0[1]
    # per-edge gather of endpoint node features, concat along feature dim
    node_features_stacked = jnp.concatenate(
        [jnp.take(x_0, source, axis=0), jnp.take(x_0, target, axis=0)], axis=1
    )  # [E, 2C]
    # edge_signal = activation(stacked @ att); activation = relu
    edge_signal = jax.nn.relu(node_features_stacked @ att)  # [E, 1]
    return edge_signal

if __name__ == "__main__":
    import jax
    _d = setup_inputs()
    print(jax.jit(kernel)(*tuple(_d.values())))

</pallas_src>

<mosaic_0001>
#map = affine_map<(d0, d1) -> (0)>
module attributes {stable_mosaic.version = 14 : i64} {
  func.func @_edge_kernel(%arg0: i32, %arg1: i32, %arg2: memref<20000xf32, #tpu.memory_space<hbm>>, %arg3: memref<640000xi32, #tpu.memory_space<hbm>>, %arg4: memref<320000xf32, #tpu.memory_space<hbm>>, %arg5: memref<10000xf32, #tpu.memory_space<vmem>>, %arg6: memref<10000xf32, #tpu.memory_space<vmem>>, %arg7: memref<10000xi32, #tpu.memory_space<vmem>>, %arg8: memref<10000xi32, #tpu.memory_space<vmem>>, %arg9: memref<10000xf32, #tpu.memory_space<vmem>>) attributes {dimension_semantics = [#tpu.dimension_semantics<core_parallel>, #tpu.dimension_semantics<subcore_parallel>], iteration_bounds = array<i64: 2, 16>, scalar_prefetch = 0 : i64, scratch_operands = 5 : i64, tpu.core_type = #tpu.core_type<sc_vector_subcore>, window_params = [{transform_indices = #map}, {transform_indices = #map}, {transform_indices = #map}]} {
    %mul3A = arith.constant 2 : i32
    %mul3A_0 = arith.muli %arg1, %mul3A : i32
    %add3A = arith.addi %mul3A_0, %arg0 : i32
    %mul3A_1 = arith.constant 10000 : i32
    %mul3A_2 = arith.muli %add3A, %mul3A_1 : i32
    "tpu.region"() ({
      %run_scoped3A = tpu.sem_alloc : memref<!tpu.dma_semaphore, #tpu.memory_space<semaphore_mem>>
      %dma_start3A = arith.constant 0 : i32
      %dma_start3A_10 = tpu.memref_slice %arg2[%dma_start3A] : memref<20000xf32, #tpu.memory_space<hbm>> -> memref<10000xf32, #tpu.memory_space<hbm>>
      %dma_start3A_11 = arith.constant 0 : i32
      %dma_start3A_12 = tpu.memref_slice %arg2[%dma_start3A_11] : memref<20000xf32, #tpu.memory_space<hbm>> -> memref<10000xf32, #tpu.memory_space<hbm>>
      tpu.enqueue_dma source(%dma_start3A_12 : memref<10000xf32, #tpu.memory_space<hbm>>) target(%arg5 : memref<10000xf32, #tpu.memory_space<vmem>>) target_semaphore(%run_scoped3A : memref<!tpu.dma_semaphore, #tpu.memory_space<semaphore_mem>>)
      %dma_wait3A = arith.constant 0 : i32
      %dma_wait3A_13 = tpu.memref_slice %arg2[%dma_wait3A] : memref<20000xf32, #tpu.memory_space<hbm>> -> memref<10000xf32, #tpu.memory_space<hbm>>
      %dma_wait3A_14 = arith.constant 0 : i32
      %dma_wait3A_15 = tpu.memref_slice %arg2[%dma_wait3A_14] : memref<20000xf32, #tpu.memory_space<hbm>> -> memref<10000xf32, #tpu.memory_space<hbm>>
      tpu.wait_dma2 semaphore(%run_scoped3A : memref<!tpu.dma_semaphore, #tpu.memory_space<semaphore_mem>>) src(%dma_wait3A_15 : memref<10000xf32, #tpu.memory_space<hbm>>) dst(%arg5 : memref<10000xf32, #tpu.memory_space<vmem>>)
      tpu.yield
    }) : () -> ()
    "tpu.region"() ({
      %run_scoped3A = tpu.sem_alloc : memref<!tpu.dma_semaphore, #tpu.memory_space<semaphore_mem>>
      %dma_start3A = arith.constant 10000 : i32
      %dma_start3A_10 = tpu.memref_slice %arg2[%dma_start3A] : memref<20000xf32, #tpu.memory_space<hbm>> -> memref<10000xf32, #tpu.memory_space<hbm>>
      %dma_start3A_11 = arith.constant 10000 : i32
      %dma_start3A_12 = tpu.memref_slice %arg2[%dma_start3A_11] : memref<20000xf32, #tpu.memory_space<hbm>> -> memref<10000xf32, #tpu.memory_space<hbm>>
      tpu.enqueue_dma source(%dma_start3A_12 : memref<10000xf32, #tpu.memory_space<hbm>>) target(%arg6 : memref<10000xf32, #tpu.memory_space<vmem>>) target_semaphore(%run_scoped3A : memref<!tpu.dma_semaphore, #tpu.memory_space<semaphore_mem>>)
      %dma_wait3A = arith.constant 10000 : i32
      %dma_wait3A_13 = tpu.memref_slice %arg2[%dma_wait3A] : memref<20000xf32, #tpu.memory_space<hbm>> -> memref<10000xf32, #tpu.memory_space<hbm>>
      %dma_wait3A_14 = arith.constant 10000 : i32
      %dma_wait3A_15 = tpu.memref_slice %arg2[%dma_wait3A_14] : memref<20000xf32, #tpu.memory_space<hbm>> -> memref<10000xf32, #tpu.memory_space<hbm>>
      tpu.wait_dma2 semaphore(%run_scoped3A : memref<!tpu.dma_semaphore, #tpu.memory_space<semaphore_mem>>) src(%dma_wait3A_15 : memref<10000xf32, #tpu.memory_space<hbm>>) dst(%arg6 : memref<10000xf32, #tpu.memory_space<vmem>>)
      tpu.yield
    }) : () -> ()
    "tpu.region"() ({
      %run_scoped3A = tpu.sem_alloc : memref<!tpu.dma_semaphore, #tpu.memory_space<semaphore_mem>>
      %dma_start3A = tpu.memref_slice %arg3[%mul3A_2] : memref<640000xi32, #tpu.memory_space<hbm>> -> memref<10000xi32, #tpu.memory_space<hbm>>
      %dma_start3A_10 = tpu.memref_slice %arg3[%mul3A_2] : memref<640000xi32, #tpu.memory_space<hbm>> -> memref<10000xi32, #tpu.memory_space<hbm>>
      tpu.enqueue_dma source(%dma_start3A_10 : memref<10000xi32, #tpu.memory_space<hbm>>) target(%arg7 : memref<10000xi32, #tpu.memory_space<vmem>>) target_semaphore(%run_scoped3A : memref<!tpu.dma_semaphore, #tpu.memory_space<semaphore_mem>>)
      %dma_wait3A = tpu.memref_slice %arg3[%mul3A_2] : memref<640000xi32, #tpu.memory_space<hbm>> -> memref<10000xi32, #tpu.memory_space<hbm>>
      %dma_wait3A_11 = tpu.memref_slice %arg3[%mul3A_2] : memref<640000xi32, #tpu.memory_space<hbm>> -> memref<10000xi32, #tpu.memory_space<hbm>>
      tpu.wait_dma2 semaphore(%run_scoped3A : memref<!tpu.dma_semaphore, #tpu.memory_space<semaphore_mem>>) src(%dma_wait3A_11 : memref<10000xi32, #tpu.memory_space<hbm>>) dst(%arg7 : memref<10000xi32, #tpu.memory_space<vmem>>)
      tpu.yield
    }) : () -> ()
    %add3A_3 = arith.constant 320000 : i32
    %add3A_4 = arith.addi %add3A_3, %mul3A_2 : i32
    "tpu.region"() ({
      %run_scoped3A = tpu.sem_alloc : memref<!tpu.dma_semaphore, #tpu.memory_space<semaphore_mem>>
      %dma_start3A = tpu.memref_slice %arg3[%add3A_4] : memref<640000xi32, #tpu.memory_space<hbm>> -> memref<10000xi32, #tpu.memory_space<hbm>>
      %dma_start3A_10 = tpu.memref_slice %arg3[%add3A_4] : memref<640000xi32, #tpu.memory_space<hbm>> -> memref<10000xi32, #tpu.memory_space<hbm>>
      tpu.enqueue_dma source(%dma_start3A_10 : memref<10000xi32, #tpu.memory_space<hbm>>) target(%arg8 : memref<10000xi32, #tpu.memory_space<vmem>>) target_semaphore(%run_scoped3A : memref<!tpu.dma_semaphore, #tpu.memory_space<semaphore_mem>>)
      %dma_wait3A = tpu.memref_slice %arg3[%add3A_4] : memref<640000xi32, #tpu.memory_space<hbm>> -> memref<10000xi32, #tpu.memory_space<hbm>>
      %dma_wait3A_11 = tpu.memref_slice %arg3[%add3A_4] : memref<640000xi32, #tpu.memory_space<hbm>> -> memref<10000xi32, #tpu.memory_space<hbm>>
      tpu.wait_dma2 semaphore(%run_scoped3A : memref<!tpu.dma_semaphore, #tpu.memory_space<semaphore_mem>>) src(%dma_wait3A_11 : memref<10000xi32, #tpu.memory_space<hbm>>) dst(%arg8 : memref<10000xi32, #tpu.memory_space<vmem>>)
      tpu.yield
    }) : () -> ()
    %scan3A = arith.constant 0 : i32
    %scan3A_5 = arith.constant 0 : i32
    %scan3A_6 = arith.constant 125 : i32
    %scan3A_7 = arith.addi %scan3A_5, %scan3A_6 : i32
    %scan3A_8 = arith.constant 1 : i32
    scf.for %scan3A_10 = %scan3A_5 to %scan3A_7 step %scan3A_8  : i32 {
      %mul3A_11 = arith.constant 5 : i32
      %mul3A_12 = arith.muli %scan3A_10, %mul3A_11 : i32
      %add3A_13 = arith.constant 0 : i32
      %add3A_14 = arith.addi %mul3A_12, %add3A_13 : i32
      %mul3A_15 = arith.constant 16 : i32
      %mul3A_16 = arith.muli %add3A_14, %mul3A_15 : i32
      %get3A = arith.index_cast %mul3A_16 : i32 to index
      %get3A_17 = tpu.vector_load %arg7[%get3A] {strides = array<i32>} : memref<10000xi32, #tpu.memory_space<vmem>>, vector<16xi32>,
      %get3A_18 = arith.index_cast %mul3A_16 : i32 to index
      %get3A_19 = tpu.vector_load %arg8[%get3A_18] {strides = array<i32>} : memref<10000xi32, #tpu.memory_space<vmem>>, vector<16xi32>,
      %gather3A = tpu.vector_load_idx %arg5[%get3A_17] : memref<10000xf32, #tpu.memory_space<vmem>>[vector<16xi32>], vector<16xf32>,
      %gather3A_20 = tpu.vector_load_idx %arg6[%get3A_19] : memref<10000xf32, #tpu.memory_space<vmem>>[vector<16xi32>], vector<16xf32>,
      %add3A_21 = arith.addf %gather3A, %gather3A_20 : vector<16xf32>
      %max3A = arith.constant 0.000000e+00 : f32
      %max3A_22 = vector.broadcast %max3A : f32 to vector<16xf32>
      %max3A_23 = arith.maximumf %add3A_21, %max3A_22 : vector<16xf32>
      %swap3A = arith.index_cast %mul3A_16 : i32 to index
      %swap3A_24 = tpu.vector_load %arg9[%swap3A] {strides = array<i32>} : memref<10000xf32, #tpu.memory_space<vmem>>, vector<16xf32>,
      tpu.vector_store %arg9[%swap3A], %max3A_23 {strides = array<i32>} : memref<10000xf32, #tpu.memory_space<vmem>>, vector<16xf32>,
      %mul3A_25 = arith.constant 5 : i32
      %mul3A_26 = arith.muli %scan3A_10, %mul3A_25 : i32
      %add3A_27 = arith.constant 1 : i32
      %add3A_28 = arith.addi %mul3A_26, %add3A_27 : i32
      %mul3A_29 = arith.constant 16 : i32
      %mul3A_30 = arith.muli %add3A_28, %mul3A_29 : i32
      %get3A_31 = arith.index_cast %mul3A_30 : i32 to index
      %get3A_32 = tpu.vector_load %arg7[%get3A_31] {strides = array<i32>} : memref<10000xi32, #tpu.memory_space<vmem>>, vector<16xi32>,
      %get3A_33 = arith.index_cast %mul3A_30 : i32 to index
      %get3A_34 = tpu.vector_load %arg8[%get3A_33] {strides = array<i32>} : memref<10000xi32, #tpu.memory_space<vmem>>, vector<16xi32>,
      %gather3A_35 = tpu.vector_load_idx %arg5[%get3A_32] : memref<10000xf32, #tpu.memory_space<vmem>>[vector<16xi32>], vector<16xf32>,
      %gather3A_36 = tpu.vector_load_idx %arg6[%get3A_34] : memref<10000xf32, #tpu.memory_space<vmem>>[vector<16xi32>], vector<16xf32>,
      %add3A_37 = arith.addf %gather3A_35, %gather3A_36 : vector<16xf32>
      %max3A_38 = arith.constant 0.000000e+00 : f32
      %max3A_39 = vector.broadcast %max3A_38 : f32 to vector<16xf32>
      %max3A_40 = arith.maximumf %add3A_37, %max3A_39 : vector<16xf32>
      %swap3A_41 = arith.index_cast %mul3A_30 : i32 to index
      %swap3A_42 = tpu.vector_load %arg9[%swap3A_41] {strides = array<i32>} : memref<10000xf32, #tpu.memory_space<vmem>>, vector<16xf32>,
      tpu.vector_store %arg9[%swap3A_41], %max3A_40 {strides = array<i32>} : memref<10000xf32, #tpu.memory_space<vmem>>, vector<16xf32>,
      %mul3A_43 = arith.constant 5 : i32
      %mul3A_44 = arith.muli %scan3A_10, %mul3A_43 : i32
      %add3A_45 = arith.constant 2 : i32
      %add3A_46 = arith.addi %mul3A_44, %add3A_45 : i32
      %mul3A_47 = arith.constant 16 : i32
      %mul3A_48 = arith.muli %add3A_46, %mul3A_47 : i32
      %get3A_49 = arith.index_cast %mul3A_48 : i32 to index
      %get3A_50 = tpu.vector_load %arg7[%get3A_49] {strides = array<i32>} : memref<10000xi32, #tpu.memory_space<vmem>>, vector<16xi32>,
      %get3A_51 = arith.index_cast %mul3A_48 : i32 to index
      %get3A_52 = tpu.vector_load %arg8[%get3A_51] {strides = array<i32>} : memref<10000xi32, #tpu.memory_space<vmem>>, vector<16xi32>,
      %gather3A_53 = tpu.vector_load_idx %arg5[%get3A_50] : memref<10000xf32, #tpu.memory_space<vmem>>[vector<16xi32>], vector<16xf32>,
      %gather3A_54 = tpu.vector_load_idx %arg6[%get3A_52] : memref<10000xf32, #tpu.memory_space<vmem>>[vector<16xi32>], vector<16xf32>,
      %add3A_55 = arith.addf %gather3A_53, %gather3A_54 : vector<16xf32>
      %max3A_56 = arith.constant 0.000000e+00 : f32
      %max3A_57 = vector.broadcast %max3A_56 : f32 to vector<16xf32>
      %max3A_58 = arith.maximumf %add3A_55, %max3A_57 : vector<16xf32>
      %swap3A_59 = arith.index_cast %mul3A_48 : i32 to index
      %swap3A_60 = tpu.vector_load %arg9[%swap3A_59] {strides = array<i32>} : memref<10000xf32, #tpu.memory_space<vmem>>, vector<16xf32>,
      tpu.vector_store %arg9[%swap3A_59], %max3A_58 {strides = array<i32>} : memref<10000xf32, #tpu.memory_space<vmem>>, vector<16xf32>,
      %mul3A_61 = arith.constant 5 : i32
      %mul3A_62 = arith.muli %scan3A_10, %mul3A_61 : i32
      %add3A_63 = arith.constant 3 : i32
      %add3A_64 = arith.addi %mul3A_62, %add3A_63 : i32
      %mul3A_65 = arith.constant 16 : i32
      %mul3A_66 = arith.muli %add3A_64, %mul3A_65 : i32
      %get3A_67 = arith.index_cast %mul3A_66 : i32 to index
      %get3A_68 = tpu.vector_load %arg7[%get3A_67] {strides = array<i32>} : memref<10000xi32, #tpu.memory_space<vmem>>, vector<16xi32>,
      %get3A_69 = arith.index_cast %mul3A_66 : i32 to index
      %get3A_70 = tpu.vector_load %arg8[%get3A_69] {strides = array<i32>} : memref<10000xi32, #tpu.memory_space<vmem>>, vector<16xi32>,
      %gather3A_71 = tpu.vector_load_idx %arg5[%get3A_68] : memref<10000xf32, #tpu.memory_space<vmem>>[vector<16xi32>], vector<16xf32>,
      %gather3A_72 = tpu.vector_load_idx %arg6[%get3A_70] : memref<10000xf32, #tpu.memory_space<vmem>>[vector<16xi32>], vector<16xf32>,
      %add3A_73 = arith.addf %gather3A_71, %gather3A_72 : vector<16xf32>
      %max3A_74 = arith.constant 0.000000e+00 : f32
      %max3A_75 = vector.broadcast %max3A_74 : f32 to vector<16xf32>
      %max3A_76 = arith.maximumf %add3A_73, %max3A_75 : vector<16xf32>
      %swap3A_77 = arith.index_cast %mul3A_66 : i32 to index
      %swap3A_78 = tpu.vector_load %arg9[%swap3A_77] {strides = array<i32>} : memref<10000xf32, #tpu.memory_space<vmem>>, vector<16xf32>,
      tpu.vector_store %arg9[%swap3A_77], %max3A_76 {strides = array<i32>} : memref<10000xf32, #tpu.memory_space<vmem>>, vector<16xf32>,
      %mul3A_79 = arith.constant 5 : i32
      %mul3A_80 = arith.muli %scan3A_10, %mul3A_79 : i32
      %add3A_81 = arith.constant 4 : i32
      %add3A_82 = arith.addi %mul3A_80, %add3A_81 : i32
      %mul3A_83 = arith.constant 16 : i32
      %mul3A_84 = arith.muli %add3A_82, %mul3A_83 : i32
      %get3A_85 = arith.index_cast %mul3A_84 : i32 to index
      %get3A_86 = tpu.vector_load %arg7[%get3A_85] {strides = array<i32>} : memref<10000xi32, #tpu.memory_space<vmem>>, vector<16xi32>,
      %get3A_87 = arith.index_cast %mul3A_84 : i32 to index
      %get3A_88 = tpu.vector_load %arg8[%get3A_87] {strides = array<i32>} : memref<10000xi32, #tpu.memory_space<vmem>>, vector<16xi32>,
      %gather3A_89 = tpu.vector_load_idx %arg5[%get3A_86] : memref<10000xf32, #tpu.memory_space<vmem>>[vector<16xi32>], vector<16xf32>,
      %gather3A_90 = tpu.vector_load_idx %arg6[%get3A_88] : memref<10000xf32, #tpu.memory_space<vmem>>[vector<16xi32>], vector<16xf32>,
      %add3A_91 = arith.addf %gather3A_89, %gather3A_90 : vector<16xf32>
      %max3A_92 = arith.constant 0.000000e+00 : f32
      %max3A_93 = vector.broadcast %max3A_92 : f32 to vector<16xf32>
      %max3A_94 = arith.maximumf %add3A_91, %max3A_93 : vector<16xf32>
      %swap3A_95 = arith.index_cast %mul3A_84 : i32 to index
      %swap3A_96 = tpu.vector_load %arg9[%swap3A_95] {strides = array<i32>} : memref<10000xf32, #tpu.memory_space<vmem>>, vector<16xf32>,
      tpu.vector_store %arg9[%swap3A_95], %max3A_94 {strides = array<i32>} : memref<10000xf32, #tpu.memory_space<vmem>>, vector<16xf32>,
    }
    %scan3A_9 = arith.constant 125 : i32
    "tpu.region"() ({
      %run_scoped3A = tpu.sem_alloc : memref<!tpu.dma_semaphore, #tpu.memory_space<semaphore_mem>>
      %dma_start3A = tpu.memref_slice %arg4[%mul3A_2] : memref<320000xf32, #tpu.memory_space<hbm>> -> memref<10000xf32, #tpu.memory_space<hbm>>
      %dma_start3A_10 = tpu.memref_slice %arg4[%mul3A_2] : memref<320000xf32, #tpu.memory_space<hbm>> -> memref<10000xf32, #tpu.memory_space<hbm>>
      tpu.enqueue_dma source(%arg9 : memref<10000xf32, #tpu.memory_space<vmem>>) target(%dma_start3A_10 : memref<10000xf32, #tpu.memory_space<hbm>>) target_semaphore(%run_scoped3A : memref<!tpu.dma_semaphore, #tpu.memory_space<semaphore_mem>>)
      %dma_wait3A = tpu.memref_slice %arg4[%mul3A_2] : memref<320000xf32, #tpu.memory_space<hbm>> -> memref<10000xf32, #tpu.memory_space<hbm>>
      %dma_wait3A_11 = tpu.memref_slice %arg4[%mul3A_2] : memref<320000xf32, #tpu.memory_space<hbm>> -> memref<10000xf32, #tpu.memory_space<hbm>>
      tpu.wait_dma2 semaphore(%run_scoped3A : memref<!tpu.dma_semaphore, #tpu.memory_space<semaphore_mem>>) src(%arg9 : memref<10000xf32, #tpu.memory_space<vmem>>) dst(%dma_wait3A_11 : memref<10000xf32, #tpu.memory_space<hbm>>)
      tpu.yield
    }) : () -> ()
    return
  }
}

</mosaic_0001>

<sc_bundles>
// kernel: kernel.3.cloned.1.call-start
scs
__scs_entry_jumppad:
0x0: {  	(pc) =	sbr.rel $0x88, $3  }
0x1: {  	(tag) =	ssettag $0x0;
	lr =	simm.s32 $0x1  }
0x2: {  	[smem:$0x3F9E] =	sst lr;
	_ =	strace $0xD0000000  }
0x3: {  	_ = 	snop  }
0x4: {  	_ = 	snop  }
0x5: {  	_ = 	snop  }
0x6: {  	_ = 	snop  }
0x7: {  	_ = 	snop  }
__scs_overlays_trampoline_lowered:
0x8: {  	[smem:$0x3FAD] =	sst s0  }
0x9: {  	[smem:$0x3FAE] =	sst s1  }
0xa: {  	[smem:$0x3FAF] =	sst s2  }
0xb: {  	[smem:$0x3FB0] =	sst s3  }
0xc: {  	[smem:$0x3FB1] =	sst s4  }
0xd: {  	[smem:$0x3FB2] =	sst s5  }
0xe: {  	[smem:$0x3FB3] =	sst s6  }
0xf: {  	[smem:$0x3FB4] =	sst s7  }
0x10: {  	[smem:$0x3FB5] =	sst s8  }
0x11: {  	[smem:$0x3FB6] =	sst s9;
	s0 =	simm.s32 @!p0 $0x0  }
0x12: {  	s1 =	sld [smem:$0x3F9C];
	s0 =	simm.s32 @p0 $0x1  }
0x13: {  	[smem:$0x3FB7] =	sst s0;
	s0 =	simm.s32 @!p1 $0x0  }
0x14: {  	s2 =	sld [smem:$0x3F9B];
	s0 =	simm.s32 @p1 $0x1  }
0x15: {  	[smem:$0x3FB8] =	sst s0;
	s0 =	simm.s32 @!p2 $0x0  }
0x16: {  	s3 =	sld [smem:$0x3FDB];
	s0 =	simm.s32 @p2 $0x1  }
0x17: {  	s4 =	simm.s32 $0x1BF5;
	[smem:$0x3FBA] =	sst s0  }
0x18: {  	s0 =	sld [smem:$0x3F9D];
	_ =	swait.ge [sflag:s4], $0x0  }
0x19: {  	s7 =	sld [smem:$0x3F9E]  }
0x1a: {  	s8 =	sadd.s32 $0xFFFFE003, lr  }
0x1b: {  	s9 =	sadd.s32 $0xFFFFFEF7, lr;
	s5 =	simm.s32 $0xFFFFFFFF;
	p2 =	slt.u32 s8, $0xFFFFF086  }
0x1c: {  	p1 =	slt.u32 s9, $0xF7A;
	s5 =	simm.s32 @!p2 $0x0  }
0x1d: {  	s5 =	simm.s32 @p1 $0x1;
	p0 =	seq.s32 s7, s2  }
0x1e: {  	s7 =	smul.u32 @!p0 $0xF7A, s2;
	p2 =	seq.s32 @!p0 s5, $0x0  }
0x1f: {  	s9 =	smul.u32 $0xF7A, s1;
	s8 =	simm.s32 @!p0 $0x1BF5;
	p2 =	por !p2, p0  }
0x20: {  	[sflag:s8] =	ssyncset.s32 @!p0 $0xFFFFF086;
	s6 =	sadd.s32 @!p0 s3, s7;
	s7 =	simm.s32 @!p0 $0x108  }
0x21: {  	s3 =	sadd.s32 s3, s9;
	s6 =	sadd.s32 @!p0 $0x88, s6;
	s7 =	simm.s32 @p2 $0x1082  }
0x22: {  	[simem:s7], [sflag:s8] =	dma.local @!p0 [hbm:s6], $0xF7A  }
0x23: {  	s9 =	sor.u32 $0xD0000000, s2;
	s6 =	simm.s32 $0x108;
	_ =	swait.ge @!p0 [sflag:s8], $0x0  }
0x24: {  	s3 =	sadd.s32 $0x88, s3;
	s6 =	simm.s32 @!p1 $0x1082;
	[sflag:s4] =	ssyncset.s32 $0xFFFFF086  }
0x25: {  	[simem:s6], [sflag:s4] =	dma.local [hbm:s3], $0xF7A  }
0x26: {  	[smem:$0x3F9E] =	sst s1;
	(tag) =	ssettag s2;
	_ =	strace s9  }
0x27: {  	s1 =	sld [smem:$0x3FAE]  }
0x28: {  	s2 =	sld [smem:$0x3FAF]  }
0x29: {  	s4 =	sld [smem:$0x3FB1]  }
0x2a: {  	p0 =	seq.s32 s5, $0x0;
	s5 =	sld [smem:$0x3FB2]  }
0x2b: {  	s6 =	sld [smem:$0x3FB3]  }
0x2c: {  	s7 =	sld [smem:$0x3FB4]  }
0x2d: {  	s3 =	simm.s32 $0x108;
	s8 =	sld [smem:$0x3FB5]  }
0x2e: {  	s3 =	simm.s32 @!p0 $0x1082;
	s9 =	sld [smem:$0x3FB6]  }
0x2f: {  	lr =	sadd.s32 s0, s3;
	s0 =	sld [smem:$0x3FAD]  }
0x30: {  	s3 =	sld [smem:$0x3FB0]  }
0x31: {  	[smem:$0x3FB9] =	sst s10  }
0x32: {  	s10 =	sld [smem:$0x3FB7];
	_ =	sdelay $0x3  }
0x33: {  	p0 =	seq.s32 s10, $0x1;
	s10 =	sld [smem:$0x3FB9];
	_ =	sdelay $0x3  }
0x34: {  	[smem:$0x3FB9] =	sst s10  }
0x35: {  	s10 =	sld [smem:$0x3FB8];
	_ =	sdelay $0x3  }
0x36: {  	p1 =	seq.s32 s10, $0x1;
	s10 =	sld [smem:$0x3FB9];
	_ =	sdelay $0x3  }
0x37: {  	[smem:$0x3FB9] =	sst s10  }
0x38: {  	s10 =	sld [smem:$0x3FBA]  }
0x39: {  	_ = 	snop;
	(pc) =	sbr.ind lr, $3  }
0x3a: {  	_ = 	snop  }
0x3b: {  	_ = 	snop  }
0x3c: {  	p2 =	seq.s32 s10, $0x1;
	s10 =	sld [smem:$0x3FB9]  }
0x3d: {  	_ =	shalt  }
0x3e: {  	_ =	shalt  }
0x3f: {  	_ =	shalt  }
0x40: {  	_ =	shalt  }
0x41: {  	_ =	shalt  }
0x42: {  	_ =	shalt  }
0x43: {  	_ =	shalt  }
0x44: {  	_ =	shalt  }
0x45: {  	_ =	shalt  }
0x46: {  	_ =	shalt  }
0x47: {  	_ =	shalt  }
0x48: {  	_ =	shalt  }
0x49: {  	_ =	shalt  }
0x4a: {  	_ =	shalt  }
0x4b: {  	_ =	shalt  }
0x4c: {  	_ =	shalt  }
0x4d: {  	_ =	shalt  }
0x4e: {  	_ =	shalt  }
0x4f: {  	_ =	shalt  }
0x50: {  	_ =	shalt  }
0x51: {  	_ =	shalt  }
0x52: {  	_ =	shalt  }
0x53: {  	_ =	shalt  }
0x54: {  	_ =	shalt  }
0x55: {  	_ =	shalt  }
0x56: {  	_ =	shalt  }
0x57: {  	_ =	shalt  }
0x58: {  	_ =	shalt  }
0x59: {  	_ =	shalt  }
0x5a: {  	_ =	shalt  }
0x5b: {  	_ =	shalt  }
0x5c: {  	_ =	shalt  }
0x5d: {  	_ =	shalt  }
0x5e: {  	_ =	shalt  }
0x5f: {  	_ =	shalt  }
0x60: {  	_ =	shalt  }
0x61: {  	_ =	shalt  }
0x62: {  	_ =	shalt  }
0x63: {  	_ =	shalt  }
0x64: {  	_ =	shalt  }
0x65: {  	_ =	shalt  }
0x66: {  	_ =	shalt  }
0x67: {  	_ =	shalt  }
0x68: {  	_ =	shalt  }
0x69: {  	_ =	shalt  }
0x6a: {  	_ =	shalt  }
0x6b: {  	_ =	shalt  }
0x6c: {  	_ =	shalt  }
0x6d: {  	_ =	shalt  }
0x6e: {  	_ =	shalt  }
0x6f: {  	_ =	shalt  }
0x70: {  	_ =	shalt  }
0x71: {  	_ =	shalt  }
0x72: {  	_ =	shalt  }
0x73: {  	_ =	shalt  }
0x74: {  	_ =	shalt  }
0x75: {  	_ =	shalt  }
0x76: {  	_ =	shalt  }
0x77: {  	_ =	shalt  }
0x78: {  	_ =	shalt  }
0x79: {  	_ =	shalt  }
0x7a: {  	_ =	shalt  }
0x7b: {  	_ =	shalt  }
0x7c: {  	_ =	shalt  }
0x7d: {  	_ =	shalt  }
0x7e: {  	_ =	shalt  }
0x7f: {  	_ =	shalt  }
0x80: {  	_ =	shalt  }
0x81: {  	_ =	shalt  }
0x82: {  	_ =	shalt  }
0x83: {  	_ =	shalt  }
0x84: {  	_ =	shalt  }
0x85: {  	_ =	shalt  }
0x86: {  	_ =	shalt  }
0x87: {  	_ =	shalt  }
.Lfunc_end0:
.L_simem_size_0:
called_computation_lowered:
.L_overlay_start_0:
0x88: {  	s2 =	sld [smem:$0x3FD9]  }
0x89: {  	s3 =	sld [smem:$0x3FFE];
	_ =	sdelay $0x1  }
0x8a: {  	s1 =	srdreg.scid  }
0x8b: {  	s0 =	sand.u32 $0x1, s1  }
0x8c: {  	s17 =	sshll.u32 s0, $0xA;
	s2 =	sadd.s32 s3, s2  }
0x8d: {  	s2 =	sadd.s32 s2, s17  }
0x8e: {  	[smem:$0x3FC5] =	sst s2  }
0x8f: {  	_ = 	snop  }
0x90: {  	s2 =	sld [smem:$0x3FD0];
	(tm) =	ssettm $0x1  }
0x91: {  	s18 =	sld [smem:$0x3FFB];
	_ =	sdelay $0x3  }
0x92: {  	_ =	strace s18  }
0x93: {  	s3 =	sld [smem:$0x3FFC];
	_ =	sdelay $0x3  }
0x94: {  	_ =	strace s3  }
0x95: {  	s3 =	sld [smem:$0x3FFD];
	_ =	sdelay $0x3  }
0x96: {  	_ =	strace s3  }
0x97: {  	_ =	strace $0x8FFFFFFF  }
0x98: {  	s19 =	sld [smem:$0x3FDB];
	_ =	sdelay $0x1  }
0x99: {  	s4 =	simm.s32 $_scs_section_size  }
0x9a: {  	s5 =	simm.s32 $_size__tile_overlayer_lowered;
	s6 =	simm.s32 $_tile_overlayer_lowered  }
0x9b: {  	s22 =	simm.s32 $0x1BFF;
	s21 =	sshll.u32 s6, $0x1;
	s3 =	sadd.s32 s4, s19  }
0x9c: {  	s7 =	simm.s32 $0x0;
	s20 =	sshll.u32 s5, $0x1;
	s5 =	sadd.s32 s21, s3  }
0x9d: {  	[timem:s7], [sflag:s22] =	dma.local [hbm:s5], s20  }
0x9e: {  	_ =	swait.ge [sflag:s22], s20  }
0x9f: {  	s4 =	ssub.s32 $0x0, s20;
	[sflag:s22] =	ssyncset.done $0x0  }
0xa0: {  	[sflag:s22] =	ssyncadd.s32 s4;
	_ =	sdelay $0x1  }
0xa1: {  	s23 =	simm.s32 $0x1B8B  }
0xa2: {  	_ =	swait.ge [sflag:s23], $0x1  }
0xa3: {  	[sflag:s23] =	ssyncset.done $0x0  }
0xa4: {  	s25 =	simm.s32 $0x1B8E;
	s24 =	sld [smem:$0x3FFE];
	[sflag:s23] =	ssyncadd.s32 $0xFFFFFFFF  }
0xa5: {  	s26 =	simm.s32 $execute0_lowered;
	[smem:$0x3FD2] =	sst s25  }
0xa6: {  	s5 =	sshll.u32 s26, $0x1;
	_ =	strace $0x80000046;
	[dreg:$0x1] =	wrdreg $0xFFFFFFFF  }
0xa7: {  	s28 =	simm.s32 $_size_execute0_lowered;
	s3 =	sadd.s32 s3, s5;
	[dreg:$0x0] =	wrdreg $0x0  }
0xa8: {  	s5 =	sshll.u32 s28, $0x1;
	[dreg:$0x2] =	wrdreg s3  }
0xa9: {  	[dreg:$0x3] =	wrdreg s5  }
0xaa: {  	[dreg:$0x4] =	wrdreg $0xC0  }
0xab: {  	_ =	task [dreg:s7], $0x5FFFF  }
0xac: {  	[dreg:$0x1] =	wrdreg $0xFFFFFFFF  }
0xad: {  	[dreg:$0x0] =	wrdreg $0x60  }
0xae: {  	[dreg:$0x2] =	wrdreg s2  }
0xaf: {  	[dreg:$0x3] =	wrdreg s24  }
0xb0: {  	[dreg:$0x4] =	wrdreg $0x9  }
0xb1: {  	_ =	task.clear_ibuf [dreg:s7], $0x5FFFF;
	_ =	strace $0x90000046  }
0xb2: {  	s29 =	simm.s32 $0x9;
	_ =	strace $0x80000048  }
0xb3: {  	_ =	swait.ge [sflag:s29], $0x1  }
0xb4: {  	[sflag:s29] =	ssyncadd.s32 $0xFFFFFFFF  }
0xb5: {  	_ =	strace $0x90000048  }
0xb6: {  	_ =	sfence  }
0xb7: {  	s30 =	sld [smem:$0x0];
	_ =	sdelay $0x2  }
0xb8: {  	s31 =	sshll.u32 s1, $0xD;
	s1 =	sshrl.u32 s1, $0x2  }
0xb9: {  	s3 =	sand.u32 $0x4000, s31;
	s1 =	sadd.s32 s1, s30  }
0xba: {  	s0 =	sor.u32 s3, s0;
	s1 =	sshll.u32 s1, $0x11  }
0xbb: {  	s0 =	sor.u32 s1, s0  }
0xbc: {  	s0 =	sadd.s32 $0x8F2B, s0  }
0xbd: {  	[sflag:s0] =	ssyncadd.remote.s32 $0x1  }
0xbe: {  	_ =	sfence.sel $0xFFFF  }
0xbf: {  	[dreg:$0x0] =	wrdreg $0xFFFFFFFF;
	(pc) =	sbr.abs _section_cstart, $3  }
0xc0: {  	[dreg:$0x1] =	wrdreg $0xFFFFFFFF  }
0xc1: {  	_ =	task.clear_ibuf [dreg:s7], $0x2FFFF;
	_ =	strace $0x9FFFFFFF  }
0xc2: {  	(tm) =	ssettm $0x7FFFFFFF  }
0xc3: {  	_ =	shalt  }
tec
execute0_lowered:
.L_overlay_start_1:
0x0: {  	(tag) =	ssettag $0x1  }
0x1: {  	s1 =	srdreg.scid;
	s2 =	rddreg [dreg:$0x0]  }
0x2: {  	s0 =	stileid.u32;
	s5 =	rddreg [dreg:$0x1]  }
0x3: {  	s3 =	simm.s32 $0x0;
	s9 =	simm.s32 $0x1;
	s10 =	simm.s32 $0x2780  }
0x4: {  	s11 =	simm.s32 $0x4F00;
	s4 =	sand.u32 $0x1, s1;
	s30 =	sshll.u32 s0, $0x1  }
0x5: {  	s12 =	simm.s32 $0x7680;
	s13 =	simm.s32 $0x9E00;
	s1 =	sor.u32 s4, s30  }
0x6: {  	[smem:$0x7FF] =	sst s3;
	s4 =	ssub.s32 $0x2, s4;
	s6 =	smul.u32 $0x2710, s1  }
0x7: {  	s14 =	simm.s32 $0x0;
	s1 =	rddreg [dreg:$0x2];
	s31 =	sshrl.u32 s4, $0x1  }
0x8: {  	_ =	strace $0x80000047;
	s8 =	ssub.s32 s4, s31;
	s6 =	sshrl.u32 s6, $0x3  }
0x9: {  	s4 =	sadd.s32 $0x4E2, s2;
	s8 =	smax.u32 s8, $0x1;
	s7 =	sadd.s32 s6, s5  }
0xa: {  	s5 =	sadd.s32 $0x400, s7;
	s6 =	sadd.s32 $0xA040, s7;
	s7 =	sadd.s32 $0x13E00, s7  }
.LBB2_1:
0xb: {  	[tilespmem:s3], [sflag:$0x1] =	stream.linear.gather [hbm4b:s2+s3], $0x2710, $0x38;
	[tilespmem:$0xC580] =	vst v63  }
0xc: {  	_ =	swait.ge [sflag:s9], $0x2710  }
0xd: {  	[sflag:s9] =	ssyncset.done $0x0  }
0xe: {  	[sflag:s9] =	ssyncadd.s32 $0xFFFFD8F0  }
0xf: {  	[tilespmem:s10], [sflag:$0x1] =	stream.linear.gather [hbm4b:s4+s3], $0x2710, $0x38;
	[tilespmem:$0xC580] =	vst v63  }
0x10: {  	_ =	swait.ge [sflag:s9], $0x2710  }
0x11: {  	[sflag:s9] =	ssyncset.done $0x0  }
0x12: {  	[sflag:s9] =	ssyncadd.s32 $0xFFFFD8F0  }
0x13: {  	[tilespmem:s11], [sflag:$0x1] =	stream.linear.gather [hbm4b:s5+s3], $0x2710, $0x38;
	[tilespmem:$0xC580] =	vst v63  }
0x14: {  	_ =	swait.ge [sflag:s9], $0x2710  }
0x15: {  	[sflag:s9] =	ssyncset.done $0x0  }
0x16: {  	[sflag:s9] =	ssyncadd.s32 $0xFFFFD8F0  }
0x17: {  	[tilespmem:s12], [sflag:$0x1] =	stream.linear.gather [hbm4b:s6+s3], $0x2710, $0x38;
	[tilespmem:$0xC580] =	vst v63  }
0x18: {  	_ =	swait.ge [sflag:s9], $0x2710  }
0x19: {  	[sflag:s9] =	ssyncset.done $0x0  }
0x1a: {  	s15 =	simm.s32 $0x0;
	[sflag:s9] =	ssyncadd.s32 $0xFFFFD8F0  }
0x1b: {  	v0 =	vld [tilespmem:s15+$0x4F00]  }
0x1c: {  	v1 =	vld [tilespmem:s15+$0x7680];
	_ =	sdelay $0x6  }
0x1d: {  	v0 =	vld.idx.msk [tilespmem:v0+s3+$0x0], $0xffff  }
0x1e: {  	v1 =	vld.idx.msk [tilespmem:v1+s10+$0x0], $0xffff  }
0x1f: {  	v2 =	vld [tilespmem:s15+$0x4F10]  }
0x20: {  	v3 =	vld [tilespmem:s15+$0x7690];
	_ =	sdelay $0x2  }
0x21: {  	v0 =	vadd.f32 v1, v0;
	_ =	sdelay $0x1  }
0x22: {  	v0 =	vmax.f32 v0, $0.0e+00  }
0x23: {  	[tilespmem:s15+$0x9E00] =	vst v0  }
0x24: {  	v0 =	vld.idx.msk [tilespmem:v2+s3+$0x0], $0xffff  }
0x25: {  	v1 =	vld.idx.msk [tilespmem:v3+s10+$0x0], $0xffff  }
0x26: {  	v2 =	vld [tilespmem:s15+$0x4F20]  }
0x27: {  	v3 =	vld [tilespmem:s15+$0x76A0];
	_ =	sdelay $0x2  }
0x28: {  	v0 =	vadd.f32 v1, v0;
	_ =	sdelay $0x1  }
0x29: {  	v0 =	vmax.f32 v0, $0.0e+00  }
0x2a: {  	[tilespmem:s15+$0x9E10] =	vst v0  }
0x2b: {  	v0 =	vld.idx.msk [tilespmem:v2+s3+$0x0], $0xffff  }
0x2c: {  	v1 =	vld.idx.msk [tilespmem:v3+s10+$0x0], $0xffff  }
0x2d: {  	v2 =	vld [tilespmem:s15+$0x4F30]  }
0x2e: {  	v3 =	vld [tilespmem:s15+$0x76B0];
	_ =	sdelay $0x2  }
0x2f: {  	v0 =	vadd.f32 v1, v0;
	_ =	sdelay $0x1  }
0x30: {  	v0 =	vmax.f32 v0, $0.0e+00  }
0x31: {  	[tilespmem:s15+$0x9E20] =	vst v0  }
0x32: {  	v0 =	vld.idx.msk [tilespmem:v2+s3+$0x0], $0xffff  }
0x33: {  	v1 =	vld.idx.msk [tilespmem:v3+s10+$0x0], $0xffff  }
0x34: {  	v2 =	vld [tilespmem:s15+$0x4F40]  }
0x35: {  	v3 =	vld [tilespmem:s15+$0x76C0];
	_ =	sdelay $0x2  }
0x36: {  	v0 =	vadd.f32 v1, v0;
	_ =	sdelay $0x1  }
0x37: {  	v0 =	vmax.f32 v0, $0.0e+00  }
0x38: {  	[tilespmem:s15+$0x9E30] =	vst v0  }
0x39: {  	v2 =	vld.idx.msk [tilespmem:v2+s3+$0x0], $0xffff  }
0x3a: {  	s18 =	simm.s32 $0x50;
	v3 =	vld.idx.msk [tilespmem:v3+s10+$0x0], $0xffff  }
0x3b: {  	v0 =	vld [tilespmem:s18+$0x4F00]  }
0x3c: {  	s16 =	simm.s32 $0x280;
	v1 =	vld [tilespmem:s18+$0x7680]  }
.LBB2_2:
0x3d: {  	p0 =	sne.s32 s16, $0x9B00;
	s17 =	smov.u32 s16;
	s16 =	sadd.s32 $0x140, s16  }
0x3e: {  	_ = 	snop  }
0x3f: {  	v2 =	vadd.f32 v3, v2;
	_ =	sdelay $0x1  }
0x40: {  	v2 =	vmax.f32 v2, $0.0e+00  }
0x41: {  	[tilespmem:s15+$0x9E40] =	vst v2;
	s15 =	smov.u32 s18  }
0x42: {  	v0 =	vld.idx.msk [tilespmem:v0+s3+$0x0], $0xffff  }
0x43: {  	v1 =	vld.idx.msk [tilespmem:v1+s10+$0x0], $0xffff  }
0x44: {  	v2 =	vld [tilespmem:s15+$0x7690]  }
0x45: {  	v3 =	vld [tilespmem:s15+$0x4F10];
	_ =	sdelay $0x3  }
0x46: {  	v0 =	vadd.f32 v1, v0;
	_ =	sdelay $0x1  }
0x47: {  	v0 =	vmax.f32 v0, $0.0e+00  }
0x48: {  	[tilespmem:s15+$0x9E00] =	vst v0  }
0x49: {  	v0 =	vld.idx.msk [tilespmem:v3+s3+$0x0], $0xffff  }
0x4a: {  	v1 =	vld.idx.msk [tilespmem:v2+s10+$0x0], $0xffff  }
0x4b: {  	v2 =	vld [tilespmem:s15+$0x76A0]  }
0x4c: {  	v3 =	vld [tilespmem:s15+$0x4F20];
	_ =	sdelay $0x3  }
0x4d: {  	v0 =	vadd.f32 v1, v0;
	_ =	sdelay $0x1  }
0x4e: {  	v0 =	vmax.f32 v0, $0.0e+00  }
0x4f: {  	[tilespmem:s15+$0x9E10] =	vst v0  }
0x50: {  	v0 =	vld.idx.msk [tilespmem:v3+s3+$0x0], $0xffff  }
0x51: {  	v1 =	vld.idx.msk [tilespmem:v2+s10+$0x0], $0xffff  }
0x52: {  	v2 =	vld [tilespmem:s15+$0x76B0]  }
0x53: {  	v3 =	vld [tilespmem:s15+$0x4F30];
	_ =	sdelay $0x3  }
0x54: {  	v0 =	vadd.f32 v1, v0;
	_ =	sdelay $0x1  }
0x55: {  	v0 =	vmax.f32 v0, $0.0e+00  }
0x56: {  	[tilespmem:s15+$0x9E20] =	vst v0  }
0x57: {  	v0 =	vld.idx.msk [tilespmem:v3+s3+$0x0], $0xffff  }
0x58: {  	v1 =	vld.idx.msk [tilespmem:v2+s10+$0x0], $0xffff  }
0x59: {  	v3 =	vld [tilespmem:s15+$0x76C0]  }
0x5a: {  	v2 =	vld [tilespmem:s15+$0x4F40];
	_ =	sdelay $0x3  }
0x5b: {  	v0 =	vadd.f32 v1, v0;
	_ =	sdelay $0x1  }
0x5c: {  	v0 =	vmax.f32 v0, $0.0e+00  }
0x5d: {  	[tilespmem:s15+$0x9E30] =	vst v0  }
.Ltmp0:
0x5e: {  	v2 =	vld.idx.msk [tilespmem:v2+s3+$0x0], $0xffff;
	(pc) =	sbr.rel @p0 .LBB2_2-.Ltmp0, $4  }
0x5f: {  	v3 =	vld.idx.msk [tilespmem:v3+s10+$0x0], $0xffff  }
0x60: {  	s18 =	sshra.s32 s17, $0x2  }
0x61: {  	v0 =	vld [tilespmem:s18+$0x4F00]  }
0x62: {  	v1 =	vld [tilespmem:s18+$0x7680]  }
0x63: {  	_ =	sdelay $0x2  }
0x64: {  	v2 =	vadd.f32 v3, v2;
	_ =	sdelay $0x1  }
0x65: {  	v2 =	vmax.f32 v2, $0.0e+00  }
0x66: {  	[tilespmem:s15+$0x9E40] =	vst v2  }
0x67: {  	v0 =	vld.idx.msk [tilespmem:v0+s3+$0x0], $0xffff  }
0x68: {  	v1 =	vld.idx.msk [tilespmem:v1+s10+$0x0], $0xffff  }
0x69: {  	v2 =	vld [tilespmem:s18+$0x4F10]  }
0x6a: {  	v53 =	vld [tilespmem:s18+$0x7690];
	_ =	sdelay $0x2  }
0x6b: {  	v0 =	vadd.f32 v1, v0;
	_ =	sdelay $0x1  }
0x6c: {  	v0 =	vmax.f32 v0, $0.0e+00  }
0x6d: {  	[tilespmem:s18+$0x9E00] =	vst v0  }
0x6e: {  	v0 =	vld.idx.msk [tilespmem:v2+s3+$0x0], $0xffff  }
0x6f: {  	v54 =	vld.idx.msk [tilespmem:v53+s10+$0x0], $0xffff  }
0x70: {  	v55 =	vld [tilespmem:s18+$0x4F20]  }
0x71: {  	v56 =	vld [tilespmem:s18+$0x76A0];
	_ =	sdelay $0x2  }
0x72: {  	v0 =	vadd.f32 v54, v0;
	_ =	sdelay $0x1  }
0x73: {  	v0 =	vmax.f32 v0, $0.0e+00  }
0x74: {  	[tilespmem:s18+$0x9E10] =	vst v0  }
0x75: {  	v0 =	vld.idx.msk [tilespmem:v55+s3+$0x0], $0xffff  }
0x76: {  	v57 =	vld.idx.msk [tilespmem:v56+s10+$0x0], $0xffff  }
0x77: {  	v58 =	vld [tilespmem:s18+$0x4F30]  }
0x78: {  	v59 =	vld [tilespmem:s18+$0x76B0];
	_ =	sdelay $0x2  }
0x79: {  	v0 =	vadd.f32 v57, v0;
	_ =	sdelay $0x1  }
0x7a: {  	v0 =	vmax.f32 v0, $0.0e+00  }
0x7b: {  	[tilespmem:s18+$0x9E20] =	vst v0  }
0x7c: {  	v0 =	vld.idx.msk [tilespmem:v58+s3+$0x0], $0xffff  }
0x7d: {  	v60 =	vld.idx.msk [tilespmem:v59+s10+$0x0], $0xffff  }
0x7e: {  	v61 =	vld [tilespmem:s18+$0x4F40]  }
0x7f: {  	v62 =	vld [tilespmem:s18+$0x76C0];
	_ =	sdelay $0x2  }
0x80: {  	v0 =	vadd.f32 v60, v0;
	_ =	sdelay $0x1  }
0x81: {  	v0 =	vmax.f32 v0, $0.0e+00  }
0x82: {  	[tilespmem:s18+$0x9E30] =	vst v0  }
0x83: {  	v0 =	vld.idx.msk [tilespmem:v61+s3+$0x0], $0xffff  }
0x84: {  	v63 =	vld.idx.msk [tilespmem:v62+s10+$0x0], $0xffff;
	_ =	sdelay $0x4  }
0x85: {  	v0 =	vadd.f32 v63, v0  }
0x86: {  	s14 =	sadd.s32 $0x1, s14  }
0x87: {  	p0 =	sne.s32 s14, s8;
	v0 =	vmax.f32 v0, $0.0e+00  }
.Ltmp1:
0x88: {  	[tilespmem:s18+$0x9E40] =	vst v0;
	(pc) =	sbr.rel @p0 .LBB2_1-.Ltmp1, $4  }
0x89: {  	[hbm4b:s7+s3] =	stream.linear.scatter [tilespmem:s13], [sflag:$0x1], $0x2710, $0x38;
	[tilespmem:$0xC580] =	vst v63  }
0x8a: {  	_ =	swait.ge [sflag:s9], $0x2710  }
0x8b: {  	[sflag:s9] =	ssyncset.done $0x0  }
0x8c: {  	[sflag:s9] =	ssyncadd.s32 $0xFFFFD8F0  }
0x8d: {  	_ =	sfence.sel $0x180000  }
0x8e: {  	[bflag:$0x0] =	sbarrier.arrive $0xFFFF  }
0x8f: {  	p0 =	sne.s32 s0, $0x0;
	_ =	strace $0x90000047  }
0x90: {  	s0 =	sadd.s32 @!p0 $0x100000, s1;
	[bflag:$0x2] =	sbarrier.arrive $0xFFFF  }
0x91: {  	[sflag:s0] =	ssyncadd.tile.s32 @!p0 $0x1;
	_ =	shalt  }
.Lfunc_end2:
_tile_overlayer_lowered:
.L_overlay_start_2:
0x92: {  	(tag) =	ssettag $0x2  }
0x93: {  	s0 =	rddreg [dreg:$0x0];
	s2 =	stileid.u32  }
0x94: {  	s1 =	rddreg [dreg:$0x1];
	p0 =	sne.s32 s2, $0x0  }
0x95: {  	s3 =	rddreg [dreg:$0x2];
	[bflag:$0x3] =	sbarrier.arrive $0xFFFF;
	s2 =	simm.s32 @!p0 $0x1C01  }
0x96: {  	[timem:s3], [sflag:s2] =	dma.local @!p0 [hbm:s0], s1  }
0x97: {  	s0 =	simm.s32 @!p0 $0x1  }
0x98: {  	_ =	swait.ge @!p0 [sflag:s0], s1  }
0x99: {  	s1 =	ssub.s32 @!p0 $0x0, s1;
	[sflag:s0] =	ssyncset.done @!p0 $0x0  }
0x9a: {  	[sflag:s0] =	ssyncadd.s32 @!p0 s1  }
0x9b: {  	[bflag:$0x3] =	sbarrier.arrive $0xFFFF  }
0x9c: {  	_ =	shalt  }

</sc_bundles>
